<compile_context>
chip_gen: v7x
topology: tpu7x:2x2x1
jax: 0.10.2.dev20260603
libtpu: 0.0.44.dev20260713+nightly
codegen_flags: <defaults>
</compile_context>

<pallas_src>
import functools

import jax
import jax.numpy as jnp
from jax import lax
from jax.experimental import pallas as pl
from jax.experimental.pallas import tpu as pltpu
from jax.experimental.pallas import tpu_sc as plsc

N = 10000
E = 320000
G = 256
F = 128
D = 100
CUT = 12.0

NC = 2
NS = 16
L = 16
NW = NC * NS

K = 48
E_PAD = 322560
EPW = E_PAD // NW
CHUNKS = EPW // K
N_PAD = 10240
NSLICE = N_PAD // NS
BE = 512
EROWS = E_PAD // BE
NB = N_PAD // 256

@functools.cache
def _get_mesh():
    return plsc.VectorSubcoreMesh(core_axis_name="c", subcore_axis_name="s",
                                  num_cores=NC, num_subcores=NS)


def _sc_d2_body(row_hbm, col_hbm, px_hbm, py_hbm, pz_hbm, d2_hbm,
                row_v, col_v, px_v, py_v, pz_v, d2_v):
    cid = lax.axis_index("c")
    sid = lax.axis_index("s")
    wid = sid * NC + cid
    base = wid * EPW
    pltpu.sync_copy(row_hbm.at[pl.ds(base, EPW)], row_v)
    pltpu.sync_copy(col_hbm.at[pl.ds(base, EPW)], col_v)
    pltpu.sync_copy(px_hbm, px_v)
    pltpu.sync_copy(py_hbm, py_v)
    pltpu.sync_copy(pz_hbm, pz_v)

    def step(i, carry):
        sl = pl.ds(i * L, L)
        r = row_v[sl]
        c = col_v[sl]
        dx = plsc.load_gather(px_v, [r]) - plsc.load_gather(px_v, [c])
        dy = plsc.load_gather(py_v, [r]) - plsc.load_gather(py_v, [c])
        dz = plsc.load_gather(pz_v, [r]) - plsc.load_gather(pz_v, [c])
        d2_v[sl] = dx * dx + dy * dy + dz * dz
        return carry

    lax.fori_loop(0, EPW // L, step, 0)
    pltpu.sync_copy(d2_v, d2_hbm.at[pl.ds(base, EPW)])


@jax.jit
def _sc_d2(row, col, px, py, pz):
    return pl.kernel(
        _sc_d2_body,
        out_type=jax.ShapeDtypeStruct((E_PAD,), jnp.float32),
        mesh=_get_mesh(),
        compiler_params=pltpu.CompilerParams(needs_layout_passes=False),
        scratch_types=[
            pltpu.VMEM((EPW,), jnp.int32),
            pltpu.VMEM((EPW,), jnp.int32),
            pltpu.VMEM((N_PAD,), jnp.float32),
            pltpu.VMEM((N_PAD,), jnp.float32),
            pltpu.VMEM((N_PAD,), jnp.float32),
            pltpu.VMEM((EPW,), jnp.float32),
        ],
    )(row, col, px, py, pz)


def _sc_msg_body(y_hbm, g_hbm, row_hbm, col_hbm, zero_hbm, out_hbm,
                 row_v, col0, col1, col2, y_bufs, g_bufs,
                 semy, semg, semc, sems, m_sh):
    cid = lax.axis_index("c")
    sid = lax.axis_index("s")
    wid = sid * NC + cid
    base = wid * EPW
    zsl = pl.ds(sid * NSLICE, NSLICE)
    cols = (col0, col1, col2)
    pltpu.sync_copy(zero_hbm.at[zsl], m_sh.at[zsl])
    pltpu.sync_copy(row_hbm.at[pl.ds(base, EPW)], row_v)
    plsc.subcore_barrier()

    def issue(k, p):
        pltpu.async_copy(g_hbm.at[pl.ds(base + k * K, K)], g_bufs.at[p],
                         semg.at[p])
        pltpu.async_copy(y_hbm.at[row_v.at[pl.ds(k * K, K)]], y_bufs.at[p],
                         semy.at[p])
        pltpu.async_copy(col_hbm.at[pl.ds(base + k * K, K)], cols[p],
                         semc.at[p])

    def scat_wait(p):
        pltpu.make_async_copy(g_bufs.at[p], m_sh.at[cols[p]],
                              sems.at[p]).wait()

    def consume(k, p):
        pltpu.make_async_copy(g_hbm.at[pl.ds(base + k * K, K)], g_bufs.at[p],
                              semg.at[p]).wait()
        pltpu.make_async_copy(y_hbm.at[row_v.at[pl.ds(k * K, K)]],
                              y_bufs.at[p], semy.at[p]).wait()
        pltpu.make_async_copy(col_hbm.at[pl.ds(base + k * K, K)], cols[p],
                              semc.at[p]).wait()

        def mul_row(r4, c2):
            for rr in range(4):
                for kk in range(F // L):
                    sl = pl.ds(kk * L, L)
                    g_bufs[p, r4 * 4 + rr, sl] = (g_bufs[p, r4 * 4 + rr, sl]
                                                  * y_bufs[p, r4 * 4 + rr, sl])
            return c2

        lax.fori_loop(0, K // 4, mul_row, 0)
        pltpu.async_copy(g_bufs.at[p], m_sh.at[cols[p]], sems.at[p], add=True)

    issue(0, 0)
    issue(1, 1)

    def trip(kk, carry):
        for p in range(3):
            k = kk * 3 + p

            @pl.when(k + 2 < CHUNKS)
            def _pre():
                q = (p + 2) % 3

                @pl.when(k >= 1)
                def _drain():
                    scat_wait(q)

                issue(k + 2, q)

            consume(k, p)
        return carry

    lax.fori_loop(0, CHUNKS // 3, trip, 0)
    for p in range(3):
        scat_wait(p)
    plsc.subcore_barrier()
    pltpu.sync_copy(m_sh.at[zsl], out_hbm.at[cid, zsl])


@jax.jit
def _sc_msg(y, g, row, col, zero):
    return pl.kernel(
        _sc_msg_body,
        out_type=jax.ShapeDtypeStruct((NC, N_PAD, F), jnp.float32),
        mesh=_get_mesh(),
        compiler_params=pltpu.CompilerParams(needs_layout_passes=False),
        scratch_types=[
            pltpu.VMEM((EPW,), jnp.int32),
            pltpu.VMEM((K,), jnp.int32),
            pltpu.VMEM((K,), jnp.int32),
            pltpu.VMEM((K,), jnp.int32),
            pltpu.VMEM((3, K, F), jnp.float32),
            pltpu.VMEM((3, K, F), jnp.float32),
            pltpu.SemaphoreType.DMA((3,)),
            pltpu.SemaphoreType.DMA((3,)),
            pltpu.SemaphoreType.DMA((3,)),
            pltpu.SemaphoreType.DMA((3,)),
            pltpu.VMEM_SHARED((N_PAD, F), jnp.float32),
        ],
    )(y, g, row, col, zero)


def _dot(a, b):
    return jnp.dot(a, b, preferred_element_type=jnp.float32)


def _residual(x, dW, db, rW, rb):
    h = jnp.maximum(x, 0.0)
    return x + _dot(_dot(h, dW) + db, rW) + rb


def _embed_body(zf_ref, emb_ref, w_ref, b_ref, h_ref, y_ref):
    z = zf_ref[0, 0, :]
    ids = lax.broadcasted_iota(jnp.int32, (256, F), 1).astype(jnp.float32)
    oh = (z[:, None] == ids).astype(jnp.float32)
    h = _dot(oh, emb_ref[...])
    h_ref[...] = h
    y_ref[...] = _dot(jnp.maximum(h, 0.0), w_ref[...]) + b_ref[...]


@jax.jit
def _tc_embed(zf, emb, w, b):
    full = lambda shp: pl.BlockSpec(shp, lambda i: (0, 0))
    return pl.pallas_call(
        _embed_body,
        grid=(NB,),
        in_specs=[
            pl.BlockSpec((1, 1, 256), lambda i: (i, 0, 0)),
            full((F, F)), full((F, F)), full((1, F)),
        ],
        out_specs=[
            pl.BlockSpec((256, F), lambda i: (i, 0)),
            pl.BlockSpec((256, F), lambda i: (i, 0)),
        ],
        out_shape=[
            jax.ShapeDtypeStruct((N_PAD, F), jnp.float32),
            jax.ShapeDtypeStruct((N_PAD, F), jnp.float32),
        ],
    )(zf, emb, w, b)


def _rbf_body(d2_ref, cen_ref, wid_ref, w1_ref, b1_ref, g1_ref):
    d2 = d2_ref[0, 0, :]
    ew = jnp.sqrt(d2 + 1e-9)
    x = ew * (1.0 / CUT)
    x3 = x * x * x
    x4 = x3 * x
    x5 = x4 * x
    cutf = jnp.where(x < 1.0, 1.0 - 6.0 * x5 + 15.0 * x4 - 10.0 * x3, 0.0)
    dif = jnp.exp(-ew)[:, None] - cen_ref[...]
    ea = cutf[:, None] * jnp.exp(-wid_ref[...] * dif * dif)
    g1_ref[...] = _dot(ea, w1_ref[...]) + b1_ref[...]


@jax.jit
def _tc_rbf(d2r, cen, wid, w1, b1):
    full = lambda shp: pl.BlockSpec(shp, lambda i: (0, 0))
    return pl.pallas_call(
        _rbf_body,
        grid=(EROWS,),
        in_specs=[
            pl.BlockSpec((1, 1, BE), lambda i: (i, 0, 0)),
            full((1, F)), full((1, F)),
            full((F, F)), full((1, F)),
        ],
        out_specs=pl.BlockSpec((BE, F), lambda i: (i, 0)),
        out_shape=jax.ShapeDtypeStruct((E_PAD, F), jnp.float32),
    )(d2r, cen, wid, w1, b1)


def _update(h, ma, mb, ws):
    m = ma + mb
    m = _residual(m, ws["r0dW"], ws["r0db"], ws["r0rW"], ws["r0rb"])
    m = _residual(m, ws["r1dW"], ws["r1db"], ws["r1rW"], ws["r1rb"])
    m = jnp.maximum(m, 0.0)
    x = ws["u"] * h + _dot(m, ws["dW"]) + ws["db"]
    x = _residual(x, ws["a0dW"], ws["a0db"], ws["a0rW"], ws["a0rb"])
    x = _residual(x, ws["a1dW"], ws["a1db"], ws["a1rW"], ws["a1rb"])
    return x


_BLK_KEYS = ("r0dW", "r0db", "r0rW", "r0rb", "r1dW", "r1db", "r1rW", "r1rb",
             "dW", "db", "u",
             "a0dW", "a0db", "a0rW", "a0rb", "a1dW", "a1db", "a1rW", "a1rb")


def _block_body(h_ref, ma_ref, mb_ref, *refs):
    wrefs = refs[:len(_BLK_KEYS)]
    wi_ref, bi_ref, h1_ref, y2_ref = refs[len(_BLK_KEYS):]
    ws = {k: r[...] for k, r in zip(_BLK_KEYS, wrefs)}
    x = _update(h_ref[...], ma_ref[...], mb_ref[...], ws)
    h1_ref[...] = x
    y2_ref[...] = _dot(jnp.maximum(x, 0.0), wi_ref[...]) + bi_ref[...]


@jax.jit
def _tc_block(h, ma, mb, wlist, wi, bi):
    full2 = lambda a: pl.BlockSpec(a.shape, lambda i: (0, 0))
    nspec = pl.BlockSpec((256, F), lambda i: (i, 0))
    return pl.pallas_call(
        _block_body,
        grid=(NB,),
        in_specs=[nspec, nspec, nspec]
                 + [full2(a) for a in wlist] + [full2(wi), full2(bi)],
        out_specs=[nspec, nspec],
        out_shape=[
            jax.ShapeDtypeStruct((N_PAD, F), jnp.float32),
            jax.ShapeDtypeStruct((N_PAD, F), jnp.float32),
        ],
    )(h, ma, mb, *wlist, wi, bi)


def _final_body(h_ref, ma_ref, mb_ref, *refs):
    wrefs = refs[:len(_BLK_KEYS)]
    pw_ref, pb_ref, lw_ref, lb_ref, bf_ref, out_ref = refs[len(_BLK_KEYS):]
    ws = {k: r[...] for k, r in zip(_BLK_KEYS, wrefs)}
    x = _update(h_ref[...], ma_ref[...], mb_ref[...], ws)
    x2 = jnp.maximum(_dot(x, pw_ref[...]) + pb_ref[...], 0.0)
    xx = _dot(x2, lw_ref[...]) + lb_ref[...]
    bfv = bf_ref[0, 0, :]
    gid = lax.broadcasted_iota(jnp.int32, (G, 256), 0).astype(jnp.float32)
    oht = (gid == bfv[None, :]).astype(jnp.float32)
    i = pl.program_id(0)

    @pl.when(i == 0)
    def _init():
        out_ref[...] = jnp.zeros_like(out_ref)

    out_ref[...] += _dot(oht, xx)


@jax.jit
def _tc_final(h, ma, mb, wlist, pw, pb, lw, lb, bf):
    full2 = lambda a: pl.BlockSpec(a.shape, lambda i: (0, 0))
    nspec = pl.BlockSpec((256, F), lambda i: (i, 0))
    return pl.pallas_call(
        _final_body,
        grid=(NB,),
        in_specs=[nspec, nspec, nspec]
                 + [full2(a) for a in wlist]
                 + [full2(pw), full2(pb), full2(lw),
                    pl.BlockSpec((1, 1), lambda i: (0, 0)),
                    pl.BlockSpec((1, 1, 256), lambda i: (i, 0, 0))],
        out_specs=pl.BlockSpec((G, 1), lambda i: (0, 0)),
        out_shape=jax.ShapeDtypeStruct((G, 1), jnp.float32),
    )(h, ma, mb, *wlist, pw, pb, lw, lb, bf)


def _row2(v):
    return v.reshape(1, -1).astype(jnp.float32)


def _pad_cols(a, n):
    return jnp.pad(a, ((0, 0), (0, n - a.shape[1])))


def _pad_rows(a, n):
    return jnp.pad(a, ((0, n - a.shape[0]), (0, 0)))


def _block_wlist(p):
    r0, r1 = p['res']
    a0, a1 = p['ares']
    vals = (r0['dW'], _row2(r0['db']), r0['rW'], _row2(r0['rb']),
            r1['dW'], _row2(r1['db']), r1['rW'], _row2(r1['rb']),
            p['dense_W'], _row2(p['dense_b']), _row2(p['u']),
            a0['dW'], _row2(a0['db']), a0['rW'], _row2(a0['rb']),
            a1['dW'], _row2(a1['db']), a1['rW'], _row2(a1['rb']))
    return list(vals)


def kernel(z, pos, batch, edge_index, params):
    row = edge_index[0].astype(jnp.int32)
    col = edge_index[1].astype(jnp.int32)
    row_p = jnp.pad(row, (0, E_PAD - E))
    col_p = jnp.pad(col, (0, E_PAD - E), constant_values=N)
    posf = pos.astype(jnp.float32)
    px = jnp.pad(posf[:, 0], (0, N_PAD - N))
    py = jnp.pad(posf[:, 1], (0, N_PAD - N))
    pz = jnp.pad(posf[:, 2], (0, N_PAD - N))
    zf = jnp.pad(z.astype(jnp.float32), (0, N_PAD - N)).reshape(NB, 1, 256)
    bf = jnp.pad(batch.astype(jnp.float32), (0, N_PAD - N),
                 constant_values=float(2 * G)).reshape(NB, 1, 256)

    p = params
    emb = _pad_rows(p['emb'], F)
    b0, b1 = p['blocks']
    cen = _pad_cols(_row2(p['centers']), F)
    wid = _pad_cols(_row2(p['widths']), F)
    w1 = _pad_rows(b0['d2f_W'], F)
    w2 = _pad_rows(b1['d2f_W'], F)
    gb1 = _row2(b0['d2f_b'])
    gb2 = _row2(b1['d2f_b'])
    pw = _pad_cols(p['post_W'], F)
    pb = _pad_cols(_row2(p['post_b']), F)
    lw = _pad_rows(p['last_W'], F)
    lb = _row2(p['last_b'])

    zero = jnp.zeros((N_PAD, F), jnp.float32)

    d2 = _sc_d2(row_p, col_p, px, py, pz)
    h, y1 = _tc_embed(zf, emb, b0['di_W'], _row2(b0['di_b']))
    d2r = d2.reshape(EROWS, 1, BE)
    g1 = _tc_rbf(d2r, cen, wid, w1, gb1)
    mp1 = _sc_msg(y1, g1, row_p, col_p, zero)
    g2 = _tc_rbf(d2r, cen, wid, w2, gb2)
    h1, y2 = _tc_block(h, mp1[0], mp1[1], _block_wlist(b0),
                       b1['di_W'], _row2(b1['di_b']))
    mp2 = _sc_msg(y2, g2, row_p, col_p, zero)
    out = _tc_final(h1, mp2[0], mp2[1], _block_wlist(b1), pw, pb, lw, lb, bf)
    return out

# --- scband reference (transcript-rebuilt; emitter-appended) ---
"""Pipeline reference for scband-physnet-17257178595658 (READ-ONLY COPY).

The authoritative reference and input builder live on the scoring server;
editing this copy changes nothing except your own understanding.
"""

import jax, jax.numpy as jnp
import numpy as np

N = 10000
E = 320000
G = 256
F = 128
D = 100
CUT = 12.0
NI = 2
NR = 2
NRA = 2

def _softplus(x):
    return jnp.logaddexp(x, 0.0)

def _softplus_inverse(x):
    return x + jnp.log(-jnp.expm1(-x))

def _linear_params(key, fin, fout):
    k1, k2 = jax.random.split(key)
    w = jax.random.normal(k1, (fin, fout), dtype=jnp.float32) * (1.0 / np.sqrt(fin))
    b = jnp.zeros((fout,), dtype=jnp.float32)
    return w, b

def _res_params(key):
    k1, k2 = jax.random.split(key)
    dW, db = _linear_params(k1, F, F)
    rW, rb = _linear_params(k2, F, F)
    return {'dW': dW, 'db': db, 'rW': rW, 'rb': rb}

def _block_params(key):
    ks = jax.random.split(key, 5)
    d2f_W, d2f_b = _linear_params(ks[0], D, F)
    di_W, di_b = _linear_params(ks[1], F, F)
    dense_W, dense_b = _linear_params(ks[2], F, F)
    res = [_res_params(jax.random.fold_in(ks[3], i)) for i in range(NR)]
    ares = [_res_params(jax.random.fold_in(ks[4], i)) for i in range(NRA)]
    return {'d2f_W': d2f_W, 'd2f_b': d2f_b, 'di_W': di_W, 'di_b': di_b,
            'dense_W': dense_W, 'dense_b': dense_b, 'u': jnp.ones((F,), jnp.float32),
            'res': res, 'ares': ares}

def setup_inputs(seed: int = 0):
    key = jax.random.key(seed)
    ks = jax.random.split(key, 12)
    z = jax.random.randint(ks[0], (N,), 0, 100)
    pos = jax.random.normal(ks[1], (N, 3), dtype=jnp.float32) * 4.0
    batch = jnp.sort(jax.random.randint(ks[2], (N,), 0, G))
    edge_index = jax.random.randint(ks[3], (2, E), 0, N)
    centers = _softplus(_softplus_inverse(jnp.linspace(1.0, float(np.exp(-CUT)), D)))
    widths = _softplus(jnp.full((D,), _softplus_inverse(jnp.asarray((0.5 / ((1.0 - np.exp(-CUT)) / D)) ** 2, dtype=jnp.float32))))
    params = {
        'emb': jax.random.normal(ks[4], (100, F), dtype=jnp.float32),
        'centers': centers.astype(jnp.float32),
        'widths': widths.astype(jnp.float32),
        'blocks': [_block_params(jax.random.fold_in(ks[5], i)) for i in range(NI)],
    }
    pW, pb = _linear_params(ks[6], F, 100)
    lW, lb = _linear_params(ks[7], 100, 1)
    params['post_W'] = pW
    params['post_b'] = pb
    params['last_W'] = lW
    params['last_b'] = lb
    return {'z': z, 'pos': pos, 'batch': batch, 'edge_index': edge_index, 'params': params}

def _rbf(ew, centers, widths):
    ew = ew[:, None]
    x = ew / CUT
    x3 = x ** 3
    x4 = x3 * x
    x5 = x4 * x
    cut = jnp.where(x < 1, 1 - 6 * x5 + 15 * x4 - 10 * x3, jnp.zeros_like(x))
    return cut * jnp.exp(-widths * (jnp.exp(-ew) - centers) ** 2)

def _residual(p, x):
    h = jax.nn.relu(x)
    return x + (h @ p['dW'] + p['db']) @ p['rW'] + p['rb']

def _interaction(p, h, row, col, edge_attr):
    ha = jax.nn.relu(h)
    g = edge_attr @ p['d2f_W'] + p['d2f_b']
    y = ha @ p['di_W'] + p['di_b']
    m = jax.ops.segment_sum(y[row] * g, col, num_segments=h.shape[0])
    for rp in p['res']:
        m = _residual(rp, m)
    m = jax.nn.relu(m)
    x = p['u'] * h + m @ p['dense_W'] + p['dense_b']
    for rp in p['ares']:
        x = _residual(rp, x)
    return x

def _forward(z, pos, batch, edge_index, params):
    h = params['emb'][z]
    row = edge_index[0]
    col = edge_index[1]
    diff = pos[row] - pos[col]
    ew = jnp.sqrt(jnp.sum(diff * diff, axis=-1) + 1e-9)
    edge_attr = _rbf(ew, params['centers'], params['widths'])
    for p in params['blocks']:
        h = _interaction(p, h, row, col, edge_attr)
    x = jax.nn.relu(h @ params['post_W'] + params['post_b'])
    x = x @ params['last_W'] + params['last_b']
    return jax.ops.segment_sum(x, batch, num_segments=G)

def reference(z, pos, batch, edge_index, params):
    return _forward(z, pos, batch, edge_index, params)

if __name__ == "__main__":
    import jax
    _d = setup_inputs()
    print(jax.jit(kernel)(*tuple(_d.values())))

</pallas_src>

<mosaic_0001>
#map = affine_map<(d0, d1) -> (0)>
module attributes {stable_mosaic.version = 14 : i64} {
  func.func @_sc_d2_body(%arg0: i32, %arg1: i32, %arg2: memref<322560xi32, #tpu.memory_space<hbm>>, %arg3: memref<322560xi32, #tpu.memory_space<hbm>>, %arg4: memref<10240xf32, #tpu.memory_space<hbm>>, %arg5: memref<10240xf32, #tpu.memory_space<hbm>>, %arg6: memref<10240xf32, #tpu.memory_space<hbm>>, %arg7: memref<322560xf32, #tpu.memory_space<hbm>>, %arg8: memref<10080xi32, #tpu.memory_space<vmem>>, %arg9: memref<10080xi32, #tpu.memory_space<vmem>>, %arg10: memref<10240xf32, #tpu.memory_space<vmem>>, %arg11: memref<10240xf32, #tpu.memory_space<vmem>>, %arg12: memref<10240xf32, #tpu.memory_space<vmem>>, %arg13: memref<10080xf32, #tpu.memory_space<vmem>>) attributes {dimension_semantics = [#tpu.dimension_semantics<core_parallel>, #tpu.dimension_semantics<subcore_parallel>], iteration_bounds = array<i64: 2, 16>, scalar_prefetch = 0 : i64, scratch_operands = 6 : i64, tpu.core_type = #tpu.core_type<sc_vector_subcore>, window_params = [{transform_indices = #map}, {transform_indices = #map}, {transform_indices = #map}, {transform_indices = #map}, {transform_indices = #map}, {transform_indices = #map}]} {
    %mul3A = arith.constant 2 : i32
    %mul3A_0 = arith.muli %arg1, %mul3A : i32
    %add3A = arith.addi %mul3A_0, %arg0 : i32
    %mul3A_1 = arith.constant 10080 : i32
    %mul3A_2 = arith.muli %add3A, %mul3A_1 : i32
    "tpu.region"() ({
      %run_scoped3A = tpu.sem_alloc : memref<!tpu.dma_semaphore, #tpu.memory_space<semaphore_mem>>
      %dma_start3A = tpu.memref_slice %arg2[%mul3A_2] : memref<322560xi32, #tpu.memory_space<hbm>> -> memref<10080xi32, #tpu.memory_space<hbm>>
      %dma_start3A_8 = tpu.memref_slice %arg2[%mul3A_2] : memref<322560xi32, #tpu.memory_space<hbm>> -> memref<10080xi32, #tpu.memory_space<hbm>>
      tpu.enqueue_dma source(%dma_start3A_8 : memref<10080xi32, #tpu.memory_space<hbm>>) target(%arg8 : memref<10080xi32, #tpu.memory_space<vmem>>) target_semaphore(%run_scoped3A : memref<!tpu.dma_semaphore, #tpu.memory_space<semaphore_mem>>)
      %dma_wait3A = tpu.memref_slice %arg2[%mul3A_2] : memref<322560xi32, #tpu.memory_space<hbm>> -> memref<10080xi32, #tpu.memory_space<hbm>>
      %dma_wait3A_9 = tpu.memref_slice %arg2[%mul3A_2] : memref<322560xi32, #tpu.memory_space<hbm>> -> memref<10080xi32, #tpu.memory_space<hbm>>
      tpu.wait_dma2 semaphore(%run_scoped3A : memref<!tpu.dma_semaphore, #tpu.memory_space<semaphore_mem>>) src(%dma_wait3A_9 : memref<10080xi32, #tpu.memory_space<hbm>>) dst(%arg8 : memref<10080xi32, #tpu.memory_space<vmem>>)
      tpu.yield
    }) : () -> ()
    "tpu.region"() ({
      %run_scoped3A = tpu.sem_alloc : memref<!tpu.dma_semaphore, #tpu.memory_space<semaphore_mem>>
      %dma_start3A = tpu.memref_slice %arg3[%mul3A_2] : memref<322560xi32, #tpu.memory_space<hbm>> -> memref<10080xi32, #tpu.memory_space<hbm>>
      %dma_start3A_8 = tpu.memref_slice %arg3[%mul3A_2] : memref<322560xi32, #tpu.memory_space<hbm>> -> memref<10080xi32, #tpu.memory_space<hbm>>
      tpu.enqueue_dma source(%dma_start3A_8 : memref<10080xi32, #tpu.memory_space<hbm>>) target(%arg9 : memref<10080xi32, #tpu.memory_space<vmem>>) target_semaphore(%run_scoped3A : memref<!tpu.dma_semaphore, #tpu.memory_space<semaphore_mem>>)
      %dma_wait3A = tpu.memref_slice %arg3[%mul3A_2] : memref<322560xi32, #tpu.memory_space<hbm>> -> memref<10080xi32, #tpu.memory_space<hbm>>
      %dma_wait3A_9 = tpu.memref_slice %arg3[%mul3A_2] : memref<322560xi32, #tpu.memory_space<hbm>> -> memref<10080xi32, #tpu.memory_space<hbm>>
      tpu.wait_dma2 semaphore(%run_scoped3A : memref<!tpu.dma_semaphore, #tpu.memory_space<semaphore_mem>>) src(%dma_wait3A_9 : memref<10080xi32, #tpu.memory_space<hbm>>) dst(%arg9 : memref<10080xi32, #tpu.memory_space<vmem>>)
      tpu.yield
    }) : () -> ()
    "tpu.region"() ({
      %run_scoped3A = tpu.sem_alloc : memref<!tpu.dma_semaphore, #tpu.memory_space<semaphore_mem>>
      tpu.enqueue_dma source(%arg4 : memref<10240xf32, #tpu.memory_space<hbm>>) target(%arg10 : memref<10240xf32, #tpu.memory_space<vmem>>) target_semaphore(%run_scoped3A : memref<!tpu.dma_semaphore, #tpu.memory_space<semaphore_mem>>)
      tpu.wait_dma2 semaphore(%run_scoped3A : memref<!tpu.dma_semaphore, #tpu.memory_space<semaphore_mem>>) src(%arg4 : memref<10240xf32, #tpu.memory_space<hbm>>) dst(%arg10 : memref<10240xf32, #tpu.memory_space<vmem>>)
      tpu.yield
    }) : () -> ()
    "tpu.region"() ({
      %run_scoped3A = tpu.sem_alloc : memref<!tpu.dma_semaphore, #tpu.memory_space<semaphore_mem>>
      tpu.enqueue_dma source(%arg5 : memref<10240xf32, #tpu.memory_space<hbm>>) target(%arg11 : memref<10240xf32, #tpu.memory_space<vmem>>) target_semaphore(%run_scoped3A : memref<!tpu.dma_semaphore, #tpu.memory_space<semaphore_mem>>)
      tpu.wait_dma2 semaphore(%run_scoped3A : memref<!tpu.dma_semaphore, #tpu.memory_space<semaphore_mem>>) src(%arg5 : memref<10240xf32, #tpu.memory_space<hbm>>) dst(%arg11 : memref<10240xf32, #tpu.memory_space<vmem>>)
      tpu.yield
    }) : () -> ()
    "tpu.region"() ({
      %run_scoped3A = tpu.sem_alloc : memref<!tpu.dma_semaphore, #tpu.memory_space<semaphore_mem>>
      tpu.enqueue_dma source(%arg6 : memref<10240xf32, #tpu.memory_space<hbm>>) target(%arg12 : memref<10240xf32, #tpu.memory_space<vmem>>) target_semaphore(%run_scoped3A : memref<!tpu.dma_semaphore, #tpu.memory_space<semaphore_mem>>)
      tpu.wait_dma2 semaphore(%run_scoped3A : memref<!tpu.dma_semaphore, #tpu.memory_space<semaphore_mem>>) src(%arg6 : memref<10240xf32, #tpu.memory_space<hbm>>) dst(%arg12 : memref<10240xf32, #tpu.memory_space<vmem>>)
      tpu.yield
    }) : () -> ()
    %scan3A = arith.constant 0 : i32
    %scan3A_3 = arith.constant 0 : i32
    %scan3A_4 = arith.constant 630 : i32
    %scan3A_5 = arith.addi %scan3A_3, %scan3A_4 : i32
    %scan3A_6 = arith.constant 1 : i32
    scf.for %scan3A_8 = %scan3A_3 to %scan3A_5 step %scan3A_6  : i32 {
      %mul3A_9 = arith.constant 16 : i32
      %mul3A_10 = arith.muli %scan3A_8, %mul3A_9 : i32
      %get3A = arith.index_cast %mul3A_10 : i32 to index
      %get3A_11 = tpu.vector_load %arg8[%get3A] {strides = array<i32>} : memref<10080xi32, #tpu.memory_space<vmem>>, vector<16xi32>,
      %get3A_12 = arith.index_cast %mul3A_10 : i32 to index
      %get3A_13 = tpu.vector_load %arg9[%get3A_12] {strides = array<i32>} : memref<10080xi32, #tpu.memory_space<vmem>>, vector<16xi32>,
      %gather3A = tpu.vector_load_idx %arg10[%get3A_11] : memref<10240xf32, #tpu.memory_space<vmem>>[vector<16xi32>], vector<16xf32>,
      %gather3A_14 = tpu.vector_load_idx %arg10[%get3A_13] : memref<10240xf32, #tpu.memory_space<vmem>>[vector<16xi32>], vector<16xf32>,
      %sub3A = arith.subf %gather3A, %gather3A_14 : vector<16xf32>
      %gather3A_15 = tpu.vector_load_idx %arg11[%get3A_11] : memref<10240xf32, #tpu.memory_space<vmem>>[vector<16xi32>], vector<16xf32>,
      %gather3A_16 = tpu.vector_load_idx %arg11[%get3A_13] : memref<10240xf32, #tpu.memory_space<vmem>>[vector<16xi32>], vector<16xf32>,
      %sub3A_17 = arith.subf %gather3A_15, %gather3A_16 : vector<16xf32>
      %gather3A_18 = tpu.vector_load_idx %arg12[%get3A_11] : memref<10240xf32, #tpu.memory_space<vmem>>[vector<16xi32>], vector<16xf32>,
      %gather3A_19 = tpu.vector_load_idx %arg12[%get3A_13] : memref<10240xf32, #tpu.memory_space<vmem>>[vector<16xi32>], vector<16xf32>,
      %sub3A_20 = arith.subf %gather3A_18, %gather3A_19 : vector<16xf32>
      %mul3A_21 = arith.mulf %sub3A, %sub3A : vector<16xf32>
      %mul3A_22 = arith.mulf %sub3A_17, %sub3A_17 : vector<16xf32>
      %add3A_23 = arith.addf %mul3A_21, %mul3A_22 : vector<16xf32>
      %mul3A_24 = arith.mulf %sub3A_20, %sub3A_20 : vector<16xf32>
      %add3A_25 = arith.addf %add3A_23, %mul3A_24 : vector<16xf32>
      %swap3A = arith.index_cast %mul3A_10 : i32 to index
      %swap3A_26 = tpu.vector_load %arg13[%swap3A] {strides = array<i32>} : memref<10080xf32, #tpu.memory_space<vmem>>, vector<16xf32>,
      tpu.vector_store %arg13[%swap3A], %add3A_25 {strides = array<i32>} : memref<10080xf32, #tpu.memory_space<vmem>>, vector<16xf32>,
    }
    %scan3A_7 = arith.constant 630 : i32
    "tpu.region"() ({
      %run_scoped3A = tpu.sem_alloc : memref<!tpu.dma_semaphore, #tpu.memory_space<semaphore_mem>>
      %dma_start3A = tpu.memref_slice %arg7[%mul3A_2] : memref<322560xf32, #tpu.memory_space<hbm>> -> memref<10080xf32, #tpu.memory_space<hbm>>
      %dma_start3A_8 = tpu.memref_slice %arg7[%mul3A_2] : memref<322560xf32, #tpu.memory_space<hbm>> -> memref<10080xf32, #tpu.memory_space<hbm>>
      tpu.enqueue_dma source(%arg13 : memref<10080xf32, #tpu.memory_space<vmem>>) target(%dma_start3A_8 : memref<10080xf32, #tpu.memory_space<hbm>>) target_semaphore(%run_scoped3A : memref<!tpu.dma_semaphore, #tpu.memory_space<semaphore_mem>>)
      %dma_wait3A = tpu.memref_slice %arg7[%mul3A_2] : memref<322560xf32, #tpu.memory_space<hbm>> -> memref<10080xf32, #tpu.memory_space<hbm>>
      %dma_wait3A_9 = tpu.memref_slice %arg7[%mul3A_2] : memref<322560xf32, #tpu.memory_space<hbm>> -> memref<10080xf32, #tpu.memory_space<hbm>>
      tpu.wait_dma2 semaphore(%run_scoped3A : memref<!tpu.dma_semaphore, #tpu.memory_space<semaphore_mem>>) src(%arg13 : memref<10080xf32, #tpu.memory_space<vmem>>) dst(%dma_wait3A_9 : memref<10080xf32, #tpu.memory_space<hbm>>)
      tpu.yield
    }) : () -> ()
    return
  }
}

</mosaic_0001>

<sc_bundles>
// kernel: _sc_d2.3.cloned.1.call-start
scs
__scs_entry_jumppad:
0x0: {  	(pc) =	sbr.rel $0x88, $3  }
0x1: {  	(tag) =	ssettag $0x0;
	lr =	simm.s32 $0x1  }
0x2: {  	[smem:$0x3F9C] =	sst lr;
	_ =	strace $0xD0000000  }
0x3: {  	_ = 	snop  }
0x4: {  	_ = 	snop  }
0x5: {  	_ = 	snop  }
0x6: {  	_ = 	snop  }
0x7: {  	_ = 	snop  }
__scs_overlays_trampoline_lowered:
0x8: {  	[smem:$0x3FAB] =	sst s0  }
0x9: {  	[smem:$0x3FAC] =	sst s1  }
0xa: {  	[smem:$0x3FAD] =	sst s2  }
0xb: {  	[smem:$0x3FAE] =	sst s3  }
0xc: {  	[smem:$0x3FAF] =	sst s4  }
0xd: {  	[smem:$0x3FB0] =	sst s5  }
0xe: {  	[smem:$0x3FB1] =	sst s6  }
0xf: {  	[smem:$0x3FB2] =	sst s7  }
0x10: {  	[smem:$0x3FB3] =	sst s8  }
0x11: {  	[smem:$0x3FB4] =	sst s9;
	s0 =	simm.s32 @!p0 $0x0  }
0x12: {  	s1 =	sld [smem:$0x3F9A];
	s0 =	simm.s32 @p0 $0x1  }
0x13: {  	[smem:$0x3FB5] =	sst s0;
	s0 =	simm.s32 @!p1 $0x0  }
0x14: {  	s2 =	sld [smem:$0x3F99];
	s0 =	simm.s32 @p1 $0x1  }
0x15: {  	[smem:$0x3FB6] =	sst s0;
	s0 =	simm.s32 @!p2 $0x0  }
0x16: {  	s3 =	sld [smem:$0x3FDB];
	s0 =	simm.s32 @p2 $0x1  }
0x17: {  	s4 =	simm.s32 $0x1BF5;
	[smem:$0x3FB8] =	sst s0  }
0x18: {  	s0 =	sld [smem:$0x3F9B];
	_ =	swait.ge [sflag:s4], $0x0  }
0x19: {  	s7 =	sld [smem:$0x3F9C]  }
0x1a: {  	s8 =	sadd.s32 $0xFFFFE003, lr  }
0x1b: {  	s9 =	sadd.s32 $0xFFFFFEF7, lr;
	s5 =	simm.s32 $0xFFFFFFFF;
	p2 =	slt.u32 s8, $0xFFFFF086  }
0x1c: {  	p1 =	slt.u32 s9, $0xF7A;
	s5 =	simm.s32 @!p2 $0x0  }
0x1d: {  	s5 =	simm.s32 @p1 $0x1;
	p0 =	seq.s32 s7, s2  }
0x1e: {  	s7 =	smul.u32 @!p0 $0xF7A, s2;
	p2 =	seq.s32 @!p0 s5, $0x0  }
0x1f: {  	s9 =	smul.u32 $0xF7A, s1;
	s8 =	simm.s32 @!p0 $0x1BF5;
	p2 =	por !p2, p0  }
0x20: {  	[sflag:s8] =	ssyncset.s32 @!p0 $0xFFFFF086;
	s6 =	sadd.s32 @!p0 s3, s7;
	s7 =	simm.s32 @!p0 $0x108  }
0x21: {  	s3 =	sadd.s32 s3, s9;
	s6 =	sadd.s32 @!p0 $0x88, s6;
	s7 =	simm.s32 @p2 $0x1082  }
0x22: {  	[simem:s7], [sflag:s8] =	dma.local @!p0 [hbm:s6], $0xF7A  }
0x23: {  	s9 =	sor.u32 $0xD0000000, s2;
	s6 =	simm.s32 $0x108;
	_ =	swait.ge @!p0 [sflag:s8], $0x0  }
0x24: {  	s3 =	sadd.s32 $0x88, s3;
	s6 =	simm.s32 @!p1 $0x1082;
	[sflag:s4] =	ssyncset.s32 $0xFFFFF086  }
0x25: {  	[simem:s6], [sflag:s4] =	dma.local [hbm:s3], $0xF7A  }
0x26: {  	[smem:$0x3F9C] =	sst s1;
	(tag) =	ssettag s2;
	_ =	strace s9  }
0x27: {  	s1 =	sld [smem:$0x3FAC]  }
0x28: {  	s2 =	sld [smem:$0x3FAD]  }
0x29: {  	s4 =	sld [smem:$0x3FAF]  }
0x2a: {  	p0 =	seq.s32 s5, $0x0;
	s5 =	sld [smem:$0x3FB0]  }
0x2b: {  	s6 =	sld [smem:$0x3FB1]  }
0x2c: {  	s7 =	sld [smem:$0x3FB2]  }
0x2d: {  	s3 =	simm.s32 $0x108;
	s8 =	sld [smem:$0x3FB3]  }
0x2e: {  	s3 =	simm.s32 @!p0 $0x1082;
	s9 =	sld [smem:$0x3FB4]  }
0x2f: {  	lr =	sadd.s32 s0, s3;
	s0 =	sld [smem:$0x3FAB]  }
0x30: {  	s3 =	sld [smem:$0x3FAE]  }
0x31: {  	[smem:$0x3FB7] =	sst s10  }
0x32: {  	s10 =	sld [smem:$0x3FB5];
	_ =	sdelay $0x3  }
0x33: {  	p0 =	seq.s32 s10, $0x1;
	s10 =	sld [smem:$0x3FB7];
	_ =	sdelay $0x3  }
0x34: {  	[smem:$0x3FB7] =	sst s10  }
0x35: {  	s10 =	sld [smem:$0x3FB6];
	_ =	sdelay $0x3  }
0x36: {  	p1 =	seq.s32 s10, $0x1;
	s10 =	sld [smem:$0x3FB7];
	_ =	sdelay $0x3  }
0x37: {  	[smem:$0x3FB7] =	sst s10  }
0x38: {  	s10 =	sld [smem:$0x3FB8]  }
0x39: {  	_ = 	snop;
	(pc) =	sbr.ind lr, $3  }
0x3a: {  	_ = 	snop  }
0x3b: {  	_ = 	snop  }
0x3c: {  	p2 =	seq.s32 s10, $0x1;
	s10 =	sld [smem:$0x3FB7]  }
0x3d: {  	_ =	shalt  }
0x3e: {  	_ =	shalt  }
0x3f: {  	_ =	shalt  }
0x40: {  	_ =	shalt  }
0x41: {  	_ =	shalt  }
0x42: {  	_ =	shalt  }
0x43: {  	_ =	shalt  }
0x44: {  	_ =	shalt  }
0x45: {  	_ =	shalt  }
0x46: {  	_ =	shalt  }
0x47: {  	_ =	shalt  }
0x48: {  	_ =	shalt  }
0x49: {  	_ =	shalt  }
0x4a: {  	_ =	shalt  }
0x4b: {  	_ =	shalt  }
0x4c: {  	_ =	shalt  }
0x4d: {  	_ =	shalt  }
0x4e: {  	_ =	shalt  }
0x4f: {  	_ =	shalt  }
0x50: {  	_ =	shalt  }
0x51: {  	_ =	shalt  }
0x52: {  	_ =	shalt  }
0x53: {  	_ =	shalt  }
0x54: {  	_ =	shalt  }
0x55: {  	_ =	shalt  }
0x56: {  	_ =	shalt  }
0x57: {  	_ =	shalt  }
0x58: {  	_ =	shalt  }
0x59: {  	_ =	shalt  }
0x5a: {  	_ =	shalt  }
0x5b: {  	_ =	shalt  }
0x5c: {  	_ =	shalt  }
0x5d: {  	_ =	shalt  }
0x5e: {  	_ =	shalt  }
0x5f: {  	_ =	shalt  }
0x60: {  	_ =	shalt  }
0x61: {  	_ =	shalt  }
0x62: {  	_ =	shalt  }
0x63: {  	_ =	shalt  }
0x64: {  	_ =	shalt  }
0x65: {  	_ =	shalt  }
0x66: {  	_ =	shalt  }
0x67: {  	_ =	shalt  }
0x68: {  	_ =	shalt  }
0x69: {  	_ =	shalt  }
0x6a: {  	_ =	shalt  }
0x6b: {  	_ =	shalt  }
0x6c: {  	_ =	shalt  }
0x6d: {  	_ =	shalt  }
0x6e: {  	_ =	shalt  }
0x6f: {  	_ =	shalt  }
0x70: {  	_ =	shalt  }
0x71: {  	_ =	shalt  }
0x72: {  	_ =	shalt  }
0x73: {  	_ =	shalt  }
0x74: {  	_ =	shalt  }
0x75: {  	_ =	shalt  }
0x76: {  	_ =	shalt  }
0x77: {  	_ =	shalt  }
0x78: {  	_ =	shalt  }
0x79: {  	_ =	shalt  }
0x7a: {  	_ =	shalt  }
0x7b: {  	_ =	shalt  }
0x7c: {  	_ =	shalt  }
0x7d: {  	_ =	shalt  }
0x7e: {  	_ =	shalt  }
0x7f: {  	_ =	shalt  }
0x80: {  	_ =	shalt  }
0x81: {  	_ =	shalt  }
0x82: {  	_ =	shalt  }
0x83: {  	_ =	shalt  }
0x84: {  	_ =	shalt  }
0x85: {  	_ =	shalt  }
0x86: {  	_ =	shalt  }
0x87: {  	_ =	shalt  }
.Lfunc_end0:
.L_simem_size_0:
called_computation_lowered:
.L_overlay_start_0:
0x88: {  	s2 =	sld [smem:$0x3FD9]  }
0x89: {  	s3 =	sld [smem:$0x3FFE];
	_ =	sdelay $0x1  }
0x8a: {  	s1 =	srdreg.scid  }
0x8b: {  	s0 =	sand.u32 $0x1, s1  }
0x8c: {  	s18 =	sshll.u32 s0, $0xA;
	s2 =	sadd.s32 s3, s2  }
0x8d: {  	s2 =	sadd.s32 s2, s18  }
0x8e: {  	[smem:$0x3FC3] =	sst s2  }
0x8f: {  	_ = 	snop  }
0x90: {  	s2 =	sld [smem:$0x3FC9]  }
0x91: {  	s19 =	sld [smem:$0x3FC8]  }
0x92: {  	s4 =	sld [smem:$0x3FC7]  }
0x93: {  	s5 =	sld [smem:$0x3FC6]  }
0x94: {  	s6 =	sld [smem:$0x3FC5]  }
0x95: {  	s7 =	sld [smem:$0x3FD0];
	(tm) =	ssettm $0x1  }
0x96: {  	s8 =	sld [smem:$0x3FFB];
	_ =	sdelay $0x3  }
0x97: {  	_ =	strace s8  }
0x98: {  	s8 =	sld [smem:$0x3FFC];
	_ =	sdelay $0x3  }
0x99: {  	_ =	strace s8  }
0x9a: {  	s8 =	sld [smem:$0x3FFD];
	_ =	sdelay $0x3  }
0x9b: {  	_ =	strace s8  }
0x9c: {  	_ =	strace $0x8FFFFFFF  }
0x9d: {  	s20 =	sld [smem:$0x3FDB];
	_ =	sdelay $0x1  }
0x9e: {  	s9 =	simm.s32 $_scs_section_size  }
0x9f: {  	s10 =	simm.s32 $_size__tile_overlayer_lowered;
	s11 =	simm.s32 $_tile_overlayer_lowered  }
0xa0: {  	s23 =	simm.s32 $0x1BFF;
	s22 =	sshll.u32 s11, $0x1;
	s8 =	sadd.s32 s9, s20  }
0xa1: {  	s12 =	simm.s32 $0x0;
	s21 =	sshll.u32 s10, $0x1;
	s10 =	sadd.s32 s22, s8  }
0xa2: {  	[timem:s12], [sflag:s23] =	dma.local [hbm:s10], s21  }
0xa3: {  	_ =	swait.ge [sflag:s23], s21  }
0xa4: {  	s9 =	ssub.s32 $0x0, s21;
	[sflag:s23] =	ssyncset.done $0x0  }
0xa5: {  	[sflag:s23] =	ssyncadd.s32 s9;
	_ =	sdelay $0x1  }
0xa6: {  	s24 =	simm.s32 $0x1B8B  }
0xa7: {  	_ =	swait.ge [sflag:s24], $0x1  }
0xa8: {  	[sflag:s24] =	ssyncset.done $0x0  }
0xa9: {  	s25 =	simm.s32 $0x1B8E;
	[sflag:s24] =	ssyncadd.s32 $0xFFFFFFFF  }
0xaa: {  	s26 =	simm.s32 $execute0_lowered;
	[smem:$0x3FD2] =	sst s25  }
0xab: {  	s9 =	sshll.u32 s26, $0x1;
	_ =	strace $0x80000046;
	[dreg:$0x1] =	wrdreg $0xFFFFFFFF  }
0xac: {  	s28 =	simm.s32 $_size_execute0_lowered;
	s8 =	sadd.s32 s8, s9;
	[dreg:$0x0] =	wrdreg $0x0  }
0xad: {  	s9 =	sshll.u32 s28, $0x1;
	[dreg:$0x2] =	wrdreg s8  }
0xae: {  	[dreg:$0x3] =	wrdreg s9  }
0xaf: {  	[dreg:$0x4] =	wrdreg $0xC0  }
0xb0: {  	_ =	task [dreg:s12], $0x5FFFF  }
0xb1: {  	[dreg:$0x1] =	wrdreg $0xFFFFFFFF  }
0xb2: {  	[dreg:$0x0] =	wrdreg $0x60  }
0xb3: {  	[dreg:$0x2] =	wrdreg s2  }
0xb4: {  	[dreg:$0x3] =	wrdreg s19  }
0xb5: {  	[dreg:$0x4] =	wrdreg s4  }
0xb6: {  	[dreg:$0x5] =	wrdreg s5  }
0xb7: {  	[dreg:$0x6] =	wrdreg s6  }
0xb8: {  	[dreg:$0x7] =	wrdreg s7  }
0xb9: {  	[dreg:$0x8] =	wrdreg $0x9  }
0xba: {  	_ =	task.clear_ibuf [dreg:s12], $0x9FFFF;
	_ =	strace $0x90000046  }
0xbb: {  	s29 =	simm.s32 $0x9;
	_ =	strace $0x80000048  }
0xbc: {  	_ =	swait.ge [sflag:s29], $0x1  }
0xbd: {  	[sflag:s29] =	ssyncadd.s32 $0xFFFFFFFF  }
0xbe: {  	_ =	strace $0x90000048  }
0xbf: {  	_ =	sfence  }
0xc0: {  	s30 =	sld [smem:$0x0];
	_ =	sdelay $0x2  }
0xc1: {  	s31 =	sshll.u32 s1, $0xD;
	s1 =	sshrl.u32 s1, $0x2  }
0xc2: {  	s3 =	sand.u32 $0x4000, s31;
	s1 =	sadd.s32 s1, s30  }
0xc3: {  	s0 =	sor.u32 s3, s0;
	s1 =	sshll.u32 s1, $0x11  }
0xc4: {  	s0 =	sor.u32 s1, s0  }
0xc5: {  	s0 =	sadd.s32 $0x8F2B, s0  }
0xc6: {  	[sflag:s0] =	ssyncadd.remote.s32 $0x1  }
0xc7: {  	_ =	sfence.sel $0xFFFF  }
0xc8: {  	[dreg:$0x0] =	wrdreg $0xFFFFFFFF;
	(pc) =	sbr.abs _section_cstart, $3  }
0xc9: {  	[dreg:$0x1] =	wrdreg $0xFFFFFFFF  }
0xca: {  	_ =	task.clear_ibuf [dreg:s12], $0x2FFFF;
	_ =	strace $0x9FFFFFFF  }
0xcb: {  	(tm) =	ssettm $0x7FFFFFFF  }
tec
execute0_lowered:
.L_overlay_start_1:
0x0: {  	(tag) =	ssettag $0x1  }
0x1: {  	s6 =	rddreg [dreg:$0x0]  }
0x2: {  	s7 =	rddreg [dreg:$0x1]  }
0x3: {  	s1 =	rddreg [dreg:$0x2]  }
0x4: {  	s2 =	rddreg [dreg:$0x3]  }
0x5: {  	s4 =	rddreg [dreg:$0x4];
	s3 =	srdreg.scid  }
0x6: {  	s0 =	stileid.u32;
	s8 =	rddreg [dreg:$0x5];
	s5 =	simm.s32 $0x0  }
0x7: {  	s12 =	simm.s32 $0x4F00;
	s13 =	simm.s32 $0x7700;
	s14 =	simm.s32 $0x9F00  }
0x8: {  	s15 =	simm.s32 $0xC700;
	s9 =	sand.u32 $0x1, s3;
	s10 =	sshll.u32 s0, $0x1  }
0x9: {  	s16 =	simm.s32 $0x0;
	s10 =	sor.u32 s9, s10;
	s9 =	ssub.s32 $0x2, s9  }
0xa: {  	[smem:$0x7FF] =	sst s5;
	s10 =	smul.u32 $0x4EC, s10;
	s11 =	sshrl.u32 s9, $0x1  }
0xb: {  	s3 =	rddreg [dreg:$0x6];
	_ =	strace $0x80000047;
	s9 =	ssub.s32 s9, s11  }
0xc: {  	s11 =	simm.s32 $0x2780;
	s6 =	sadd.s32 s6, s10;
	s7 =	sadd.s32 s7, s10  }
0xd: {  	s8 =	sadd.s32 s8, s10;
	s9 =	smax.u32 s9, $0x1;
	s10 =	simm.s32 $0x1  }
.LBB2_1:
0xe: {  	[tilespmem:s5], [sflag:$0x1] =	stream.linear.gather [hbm4b:s6+s5], $0x2760, $0x38;
	[tilespmem:$0xEE80] =	vst v63  }
0xf: {  	_ =	swait.ge [sflag:s10], $0x2760  }
0x10: {  	[sflag:s10] =	ssyncset.done $0x0  }
0x11: {  	[sflag:s10] =	ssyncadd.s32 $0xFFFFD8A0  }
0x12: {  	[tilespmem:s11], [sflag:$0x1] =	stream.linear.gather [hbm4b:s7+s5], $0x2760, $0x38;
	[tilespmem:$0xEE80] =	vst v63  }
0x13: {  	_ =	swait.ge [sflag:s10], $0x2760  }
0x14: {  	[sflag:s10] =	ssyncset.done $0x0  }
0x15: {  	[sflag:s10] =	ssyncadd.s32 $0xFFFFD8A0  }
0x16: {  	[tilespmem:s12], [sflag:$0x1] =	stream.linear.gather [hbm4b:s1+s5], $0x2800, $0x38;
	[tilespmem:$0xEE80] =	vst v63  }
0x17: {  	_ =	swait.ge [sflag:s10], $0x2800  }
0x18: {  	[sflag:s10] =	ssyncset.done $0x0  }
0x19: {  	[sflag:s10] =	ssyncadd.s32 $0xFFFFD800  }
0x1a: {  	[tilespmem:s13], [sflag:$0x1] =	stream.linear.gather [hbm4b:s2+s5], $0x2800, $0x38;
	[tilespmem:$0xEE80] =	vst v63  }
0x1b: {  	_ =	swait.ge [sflag:s10], $0x2800  }
0x1c: {  	[sflag:s10] =	ssyncset.done $0x0  }
0x1d: {  	[sflag:s10] =	ssyncadd.s32 $0xFFFFD800  }
0x1e: {  	[tilespmem:s14], [sflag:$0x1] =	stream.linear.gather [hbm4b:s4+s5], $0x2800, $0x38;
	[tilespmem:$0xEE80] =	vst v63  }
0x1f: {  	_ =	swait.ge [sflag:s10], $0x2800  }
0x20: {  	[sflag:s10] =	ssyncset.done $0x0  }
0x21: {  	s17 =	simm.s32 $0x0;
	[sflag:s10] =	ssyncadd.s32 $0xFFFFD800  }
0x22: {  	v0 =	vld [tilespmem:s17+$0x2780]  }
0x23: {  	v1 =	vld [tilespmem:s17+$0x0];
	_ =	sdelay $0x6  }
0x24: {  	v2 =	vld.idx.msk [tilespmem:v0+s12+$0x0], $0xffff  }
0x25: {  	v3 =	vld.idx.msk [tilespmem:v1+s12+$0x0], $0xffff  }
0x26: {  	v4 =	vld.idx.msk [tilespmem:v1+s13+$0x0], $0xffff  }
0x27: {  	v5 =	vld.idx.msk [tilespmem:v0+s13+$0x0], $0xffff  }
0x28: {  	v6 =	vld.idx.msk [tilespmem:v1+s14+$0x0], $0xffff  }
0x29: {  	v7 =	vld.idx.msk [tilespmem:v0+s14+$0x0], $0xffff;
	_ =	sdelay $0x2  }
0x2a: {  	s18 =	simm.s32 $0x10;
	v3 =	vsub.f32 v3, v2;
	v4 =	vsub.f32 v4, v5  }
0x2b: {  	v0 =	vld [tilespmem:s18+$0x2780]  }
0x2c: {  	v1 =	vld [tilespmem:s18+$0x0];
	v2 =	vsub.f32 v6, v7;
	v3 =	vmul.f32 v3, v3;
	v4 =	vmul.f32 v4, v4  }
0x2d: {  	s19 =	simm.s32 $0x80  }
.LBB2_2:
0x2e: {  	p0 =	sne.s32 s19, $0x9D40;
	v3 =	vadd.f32 v4, v3;
	v2 =	vmul.f32 v2, v2;
	_ =	sdelay $0x1  }
0x2f: {  	v2 =	vadd.f32 v2, v3;
	_ =	sdelay $0x1  }
0x30: {  	[tilespmem:s17+$0xC700] =	vst v2;
	s17 =	smov.u32 s18  }
0x31: {  	v2 =	vld.idx.msk [tilespmem:v0+s12+$0x0], $0xffff  }
0x32: {  	v3 =	vld.idx.msk [tilespmem:v1+s12+$0x0], $0xffff  }
0x33: {  	v4 =	vld.idx.msk [tilespmem:v1+s13+$0x0], $0xffff  }
0x34: {  	v5 =	vld.idx.msk [tilespmem:v0+s13+$0x0], $0xffff  }
0x35: {  	v6 =	vld.idx.msk [tilespmem:v1+s14+$0x0], $0xffff  }
0x36: {  	v7 =	vld.idx.msk [tilespmem:v0+s14+$0x0], $0xffff;
	_ =	sdelay $0x2  }
.Ltmp0:
0x37: {  	(pc) =	sbr.rel @p0 .LBB2_2-.Ltmp0, $4  }
0x38: {  	s18 =	sshra.s32 s19, $0x2;
	v3 =	vsub.f32 v3, v2;
	v4 =	vsub.f32 v4, v5  }
0x39: {  	v0 =	vld [tilespmem:s18+$0x2780]  }
0x3a: {  	v3 =	vmul.f32 v3, v3;
	v2 =	vsub.f32 v6, v7;
	v4 =	vmul.f32 v4, v4;
	v1 =	vld [tilespmem:s18+$0x0]  }
0x3b: {  	s19 =	sadd.s32 $0x40, s19  }
0x3c: {  	_ = 	snop  }
0x3d: {  	v3 =	vadd.f32 v4, v3;
	v2 =	vmul.f32 v2, v2;
	_ =	sdelay $0x1  }
0x3e: {  	v2 =	vadd.f32 v2, v3;
	_ =	sdelay $0x1  }
0x3f: {  	[tilespmem:s17+$0xC700] =	vst v2  }
0x40: {  	v2 =	vld.idx.msk [tilespmem:v0+s12+$0x0], $0xffff  }
0x41: {  	v57 =	vld.idx.msk [tilespmem:v1+s12+$0x0], $0xffff  }
0x42: {  	v58 =	vld.idx.msk [tilespmem:v1+s13+$0x0], $0xffff  }
0x43: {  	v5 =	vld.idx.msk [tilespmem:v0+s13+$0x0], $0xffff  }
0x44: {  	v59 =	vld.idx.msk [tilespmem:v1+s14+$0x0], $0xffff  }
0x45: {  	v60 =	vld.idx.msk [tilespmem:v0+s14+$0x0], $0xffff;
	_ =	sdelay $0x2  }
0x46: {  	v2 =	vsub.f32 v57, v2;
	v61 =	vsub.f32 v58, v5;
	_ =	sdelay $0x1  }
0x47: {  	v0 =	vsub.f32 v59, v60;
	v62 =	vmul.f32 v2, v2;
	v63 =	vmul.f32 v61, v61;
	_ =	sdelay $0x1  }
0x48: {  	v0 =	vmul.f32 v0, v0;
	v1 =	vadd.f32 v63, v62;
	_ =	sdelay $0x1  }
0x49: {  	s16 =	sadd.s32 $0x1, s16;
	v0 =	vadd.f32 v0, v1  }
0x4a: {  	p0 =	sne.s32 s16, s9  }
.Ltmp1:
0x4b: {  	[tilespmem:s18+$0xC700] =	vst v0;
	(pc) =	sbr.rel @p0 .LBB2_1-.Ltmp1, $4  }
0x4c: {  	[hbm4b:s8+s5] =	stream.linear.scatter [tilespmem:s15], [sflag:$0x1], $0x2760, $0x38;
	[tilespmem:$0xEE80] =	vst v63  }
0x4d: {  	_ =	swait.ge [sflag:s10], $0x2760  }
0x4e: {  	[sflag:s10] =	ssyncset.done $0x0  }
0x4f: {  	[sflag:s10] =	ssyncadd.s32 $0xFFFFD8A0  }
0x50: {  	_ =	sfence.sel $0x180000  }
0x51: {  	[bflag:$0x0] =	sbarrier.arrive $0xFFFF  }
0x52: {  	p0 =	sne.s32 s0, $0x0;
	_ =	strace $0x90000047  }
0x53: {  	s0 =	sadd.s32 @!p0 $0x100000, s3;
	[bflag:$0x2] =	sbarrier.arrive $0xFFFF  }
0x54: {  	[sflag:s0] =	ssyncadd.tile.s32 @!p0 $0x1;
	_ =	shalt  }
.Lfunc_end2:
_tile_overlayer_lowered:
.L_overlay_start_2:
0x55: {  	(tag) =	ssettag $0x2  }
0x56: {  	s0 =	rddreg [dreg:$0x0];
	s2 =	stileid.u32  }
0x57: {  	s1 =	rddreg [dreg:$0x1];
	p0 =	sne.s32 s2, $0x0  }
0x58: {  	s3 =	rddreg [dreg:$0x2];
	[bflag:$0x3] =	sbarrier.arrive $0xFFFF;
	s2 =	simm.s32 @!p0 $0x1C01  }
0x59: {  	[timem:s3], [sflag:s2] =	dma.local @!p0 [hbm:s0], s1  }
0x5a: {  	s0 =	simm.s32 @!p0 $0x1  }
0x5b: {  	_ =	swait.ge @!p0 [sflag:s0], s1  }
0x5c: {  	s1 =	ssub.s32 @!p0 $0x0, s1;
	[sflag:s0] =	ssyncset.done @!p0 $0x0  }
0x5d: {  	[sflag:s0] =	ssyncadd.s32 @!p0 s1  }
0x5e: {  	[bflag:$0x3] =	sbarrier.arrive $0xFFFF  }
0x5f: {  	_ =	shalt  }

</sc_bundles>
